<compile_context>
chip_gen: v7x
topology: tpu7x:2x2x1
jax: 0.10.2.dev20260603
libtpu: 0.0.44.dev20260713+nightly
codegen_flags: <defaults>
</compile_context>

<pallas_src>
import jax
import jax.numpy as jnp
from jax import lax
from jax.experimental import pallas as pl
from jax.experimental.pallas import tpu as pltpu
from jax.experimental.pallas import tpu_sc as plsc

_B = 16
_N = 4096
_L = 16
_UNROLL = 4

_LN2 = 0.6931471805599453
_SQRT2 = 1.4142135623730951
_C0 = 1.0 / (2.0 * 3.14159) ** 0.5


def _vlog(p):
    bits = plsc.bitcast(p, jnp.int32)
    e = ((bits >> 23) & 0xFF) - 127
    m = plsc.bitcast((bits & 0x7FFFFF) | 0x3F800000, jnp.float32)
    big = m > _SQRT2
    m = jnp.where(big, m * 0.5, m)
    e = jnp.where(big, e + 1, e)
    t = (m - 1.0) / (m + 1.0)
    t2 = t * t
    poly = 2.0 * t * (1.0 + t2 * (1.0 / 3.0 + t2 * (0.2 + t2 * (1.0 / 7.0))))
    return e.astype(jnp.float32) * _LN2 + poly


def _sc_body(batch_hbm, thetas_hbm, out_hbm, tbuf, buf, obuf):
    s = lax.axis_index("s")

    pltpu.sync_copy(thetas_hbm, tbuf.at[pl.ds(0, 3)])
    pltpu.sync_copy(batch_hbm.at[s], buf)

    tv = tbuf[...]
    t0 = jnp.full((_L,), tv[0], jnp.float32)
    t1 = jnp.full((_L,), tv[1], jnp.float32)
    t2c = jnp.full((_L,), tv[2], jnp.float32)
    l5 = jnp.maximum(jnp.minimum(t0, 1.0), 0.0)
    l1c = 1.0 - l5
    inv = 1.0 / t1
    shift = t2c * inv
    a_log = jnp.float32(_N) * _vlog(l5 * _C0 * inv)

    step_elems = _UNROLL * _L

    def step(i, accs):
        base = i * step_elems
        out = []
        for j in range(_UNROLL):
            x = buf[pl.ds(base + j * _L, _L)]
            z = x * inv - shift
            out.append(accs[j] + z * z)
        return tuple(out)

    accs = lax.fori_loop(
        0, _N // step_elems, step,
        tuple(jnp.zeros((_L,), jnp.float32) for _ in range(_UNROLL)))
    acc = (accs[0] + accs[1]) + (accs[2] + accs[3])
    total = jnp.full((_L,), jnp.sum(acc), jnp.float32)
    obuf[...] = l1c * jnp.exp(a_log - 0.5 * total)
    pltpu.sync_copy(obuf, out_hbm.at[s])


def kernel(batch, thetas):
    mesh = plsc.VectorSubcoreMesh(
        core_axis_name="c", subcore_axis_name="s", num_cores=1)
    sc_call = pl.kernel(
        _sc_body,
        mesh=mesh,
        out_type=jax.ShapeDtypeStruct((_B, _L), jnp.float32),
        scratch_types=[
            pltpu.VMEM((_L,), jnp.float32),
            pltpu.VMEM((_N,), jnp.float32),
            pltpu.VMEM((_L,), jnp.float32),
        ],
        compiler_params=pltpu.CompilerParams(needs_layout_passes=False),
    )
    return sc_call(batch, thetas)[:, 0]

# --- scband reference (transcript-rebuilt; emitter-appended) ---
"""Pipeline reference for scband-main-vertical-68221260530287 (READ-ONLY COPY).

The authoritative reference and input builder live on the scoring server;
editing this copy changes nothing except your own understanding.
"""

import jax, jax.numpy as jnp
import numpy as np


def density_IRNormal(x):
    return 1.0 / jnp.sqrt(jnp.asarray(2 * 3.14159, dtype=x.dtype)) * jnp.exp(-0.5 * x * x)


def setup_inputs(seed: int = 0) -> dict:
    key = jax.random.key(seed)
    k1, k2 = jax.random.split(key)
    batch = jax.random.normal(k1, (16, 4096), dtype=jnp.float32)
    # learned parameter vector thetas[3]: thetas[0]=stop prob, thetas[1]=scale, thetas[2]=loc
    # uniform in [0.1, 1.0) keeps thetas[1] positive and away from zero (division by thetas[1])
    thetas = jax.random.uniform(k2, (3,), dtype=jnp.float32, minval=0.1, maxval=1.0)
    return {"batch": batch, "thetas": thetas}


def reference(batch, thetas):
    # if 1.0 >= thetas[0]: l_4_high = thetas[0] else 1.0  ->  min(thetas[0], 1.0)
    l_4_high = jnp.minimum(thetas[0], 1.0)
    # if 0.0 >= l_4_high: 0.0 else l_4_high - 0.0  ->  max(l_4_high, 0.0)
    l_5_lhs_integral = jnp.maximum(l_4_high, 0.0)
    l_1_cond = 1.0 - l_5_lhs_integral
    # rectangular batch: every sample has the same length, so at each position i
    # all samples are included and the index list is [0..B-1]. The per-position
    # multiplicative update becomes a product over the length axis.
    dens = density_IRNormal((batch - thetas[2]) / thetas[1]) / thetas[1]
    per_pos = (1.0 - l_1_cond) * dens
    result = jnp.prod(per_pos, axis=1)
    return result * l_1_cond

if __name__ == "__main__":
    import jax
    _d = setup_inputs()
    print(jax.jit(kernel)(*tuple(_d.values())))

</pallas_src>

<mosaic_0001>
#map = affine_map<(d0, d1) -> (0, 0)>
#map1 = affine_map<(d0, d1) -> (0)>
module attributes {stable_mosaic.version = 14 : i64} {
  func.func @_sc_body(%arg0: i32, %arg1: i32, %arg2: memref<16x4096xf32, #tpu.memory_space<hbm>>, %arg3: memref<3xf32, #tpu.memory_space<hbm>>, %arg4: memref<16x16xf32, #tpu.memory_space<hbm>>, %arg5: memref<16xf32, #tpu.memory_space<vmem>>, %arg6: memref<4096xf32, #tpu.memory_space<vmem>>, %arg7: memref<16xf32, #tpu.memory_space<vmem>>) attributes {dimension_semantics = [#tpu.dimension_semantics<core_parallel>, #tpu.dimension_semantics<subcore_parallel>], iteration_bounds = array<i64: 1, 16>, scalar_prefetch = 0 : i64, scratch_operands = 3 : i64, tpu.core_type = #tpu.core_type<sc_vector_subcore>, window_params = [{transform_indices = #map}, {transform_indices = #map1}, {transform_indices = #map}]} {
    "tpu.region"() ({
      %run_scoped3A = tpu.sem_alloc : memref<!tpu.dma_semaphore, #tpu.memory_space<semaphore_mem>>
      %dma_start3A = arith.constant 0 : i32
      %dma_start3A_99 = tpu.memref_slice %arg5[%dma_start3A] : memref<16xf32, #tpu.memory_space<vmem>> -> memref<3xf32, #tpu.memory_space<vmem>>
      %dma_start3A_100 = arith.constant 0 : i32
      %dma_start3A_101 = tpu.memref_slice %arg5[%dma_start3A_100] : memref<16xf32, #tpu.memory_space<vmem>> -> memref<3xf32, #tpu.memory_space<vmem>>
      tpu.enqueue_dma source(%arg3 : memref<3xf32, #tpu.memory_space<hbm>>) target(%dma_start3A_101 : memref<3xf32, #tpu.memory_space<vmem>>) target_semaphore(%run_scoped3A : memref<!tpu.dma_semaphore, #tpu.memory_space<semaphore_mem>>)
      %dma_wait3A = arith.constant 0 : i32
      %dma_wait3A_102 = tpu.memref_slice %arg5[%dma_wait3A] : memref<16xf32, #tpu.memory_space<vmem>> -> memref<3xf32, #tpu.memory_space<vmem>>
      %dma_wait3A_103 = arith.constant 0 : i32
      %dma_wait3A_104 = tpu.memref_slice %arg5[%dma_wait3A_103] : memref<16xf32, #tpu.memory_space<vmem>> -> memref<3xf32, #tpu.memory_space<vmem>>
      tpu.wait_dma2 semaphore(%run_scoped3A : memref<!tpu.dma_semaphore, #tpu.memory_space<semaphore_mem>>) src(%arg3 : memref<3xf32, #tpu.memory_space<hbm>>) dst(%dma_wait3A_104 : memref<3xf32, #tpu.memory_space<vmem>>)
      tpu.yield
    }) : () -> ()
    "tpu.region"() ({
      %run_scoped3A = tpu.sem_alloc : memref<!tpu.dma_semaphore, #tpu.memory_space<semaphore_mem>>
      %dma_start3A = arith.constant 0 : i32
      %dma_start3A_99 = tpu.memref_slice %arg2[%arg1, %dma_start3A] : memref<16x4096xf32, #tpu.memory_space<hbm>> -> memref<1x4096xf32, #tpu.memory_space<hbm>>
      %dma_start3A_100 = tpu.memref_squeeze %dma_start3A_99 : memref<1x4096xf32, #tpu.memory_space<hbm>> -> memref<4096xf32, #tpu.memory_space<hbm>>
      %dma_start3A_101 = arith.constant 0 : i32
      %dma_start3A_102 = tpu.memref_slice %arg2[%arg1, %dma_start3A_101] : memref<16x4096xf32, #tpu.memory_space<hbm>> -> memref<1x4096xf32, #tpu.memory_space<hbm>>
      %dma_start3A_103 = tpu.memref_squeeze %dma_start3A_102 : memref<1x4096xf32, #tpu.memory_space<hbm>> -> memref<4096xf32, #tpu.memory_space<hbm>>
      tpu.enqueue_dma source(%dma_start3A_103 : memref<4096xf32, #tpu.memory_space<hbm>>) target(%arg6 : memref<4096xf32, #tpu.memory_space<vmem>>) target_semaphore(%run_scoped3A : memref<!tpu.dma_semaphore, #tpu.memory_space<semaphore_mem>>)
      %dma_wait3A = arith.constant 0 : i32
      %dma_wait3A_104 = tpu.memref_slice %arg2[%arg1, %dma_wait3A] : memref<16x4096xf32, #tpu.memory_space<hbm>> -> memref<1x4096xf32, #tpu.memory_space<hbm>>
      %dma_wait3A_105 = tpu.memref_squeeze %dma_wait3A_104 : memref<1x4096xf32, #tpu.memory_space<hbm>> -> memref<4096xf32, #tpu.memory_space<hbm>>
      %dma_wait3A_106 = arith.constant 0 : i32
      %dma_wait3A_107 = tpu.memref_slice %arg2[%arg1, %dma_wait3A_106] : memref<16x4096xf32, #tpu.memory_space<hbm>> -> memref<1x4096xf32, #tpu.memory_space<hbm>>
      %dma_wait3A_108 = tpu.memref_squeeze %dma_wait3A_107 : memref<1x4096xf32, #tpu.memory_space<hbm>> -> memref<4096xf32, #tpu.memory_space<hbm>>
      tpu.wait_dma2 semaphore(%run_scoped3A : memref<!tpu.dma_semaphore, #tpu.memory_space<semaphore_mem>>) src(%dma_wait3A_108 : memref<4096xf32, #tpu.memory_space<hbm>>) dst(%arg6 : memref<4096xf32, #tpu.memory_space<vmem>>)
      tpu.yield
    }) : () -> ()
    %get3A = arith.constant 0 : index
    %get3A_0 = tpu.vector_load %arg5[%get3A] {strides = array<i32>} : memref<16xf32, #tpu.memory_space<vmem>>, vector<16xf32>,
    %slice3A = vector.extract_strided_slice %get3A_0 {offsets = [0], sizes = [1], strides = [1]} : vector<16xf32> to vector<1xf32>
    %squeeze3A = vector.extract %slice3A[0] : f32 from vector<1xf32>
    %broadcast_in_dim3A = vector.broadcast %squeeze3A : f32 to vector<16xf32>
    %slice3A_1 = vector.extract_strided_slice %get3A_0 {offsets = [1], sizes = [1], strides = [1]} : vector<16xf32> to vector<1xf32>
    %squeeze3A_2 = vector.extract %slice3A_1[0] : f32 from vector<1xf32>
    %broadcast_in_dim3A_3 = vector.broadcast %squeeze3A_2 : f32 to vector<16xf32>
    %slice3A_4 = vector.extract_strided_slice %get3A_0 {offsets = [2], sizes = [1], strides = [1]} : vector<16xf32> to vector<1xf32>
    %squeeze3A_5 = vector.extract %slice3A_4[0] : f32 from vector<1xf32>
    %broadcast_in_dim3A_6 = vector.broadcast %squeeze3A_5 : f32 to vector<16xf32>
    %min3A = arith.constant 1.000000e+00 : f32
    %min3A_7 = vector.broadcast %min3A : f32 to vector<16xf32>
    %min3A_8 = arith.minimumf %broadcast_in_dim3A, %min3A_7 : vector<16xf32>
    %max3A = arith.constant 0.000000e+00 : f32
    %max3A_9 = vector.broadcast %max3A : f32 to vector<16xf32>
    %max3A_10 = arith.maximumf %min3A_8, %max3A_9 : vector<16xf32>
    %sub3A = arith.constant 1.000000e+00 : f32
    %sub3A_11 = vector.broadcast %sub3A : f32 to vector<16xf32>
    %sub3A_12 = arith.subf %sub3A_11, %max3A_10 : vector<16xf32>
    %div3A = arith.constant 1.000000e+00 : f32
    %div3A_13 = vector.broadcast %div3A : f32 to vector<16xf32>
    %div3A_14 = arith.divf %div3A_13, %broadcast_in_dim3A_3 : vector<16xf32>
    %mul3A = arith.mulf %broadcast_in_dim3A_6, %div3A_14 : vector<16xf32>
    %mul3A_15 = arith.constant 0.398942441 : f32
    %mul3A_16 = vector.broadcast %mul3A_15 : f32 to vector<16xf32>
    %mul3A_17 = arith.mulf %max3A_10, %mul3A_16 : vector<16xf32>
    %mul3A_18 = arith.mulf %mul3A_17, %div3A_14 : vector<16xf32>
    %bitcast3A = vector.bitcast %mul3A_18 : vector<16xf32> to vector<16xi32>
    %shift_right_arithmetic3A = arith.constant 23 : i32
    %shift_right_arithmetic3A_19 = vector.broadcast %shift_right_arithmetic3A : i32 to vector<16xi32>
    %shift_right_arithmetic3A_20 = arith.shrsi %bitcast3A, %shift_right_arithmetic3A_19 : vector<16xi32>
    %and3A = arith.constant 255 : i32
    %and3A_21 = vector.broadcast %and3A : i32 to vector<16xi32>
    %and3A_22 = arith.andi %shift_right_arithmetic3A_20, %and3A_21 : vector<16xi32>
    %sub3A_23 = arith.constant 127 : i32
    %sub3A_24 = vector.broadcast %sub3A_23 : i32 to vector<16xi32>
    %sub3A_25 = arith.subi %and3A_22, %sub3A_24 : vector<16xi32>
    %and3A_26 = arith.constant 8388607 : i32
    %and3A_27 = vector.broadcast %and3A_26 : i32 to vector<16xi32>
    %and3A_28 = arith.andi %bitcast3A, %and3A_27 : vector<16xi32>
    %or3A = arith.constant 1065353216 : i32
    %or3A_29 = vector.broadcast %or3A : i32 to vector<16xi32>
    %or3A_30 = arith.ori %and3A_28, %or3A_29 : vector<16xi32>
    %bitcast3A_31 = vector.bitcast %or3A_30 : vector<16xi32> to vector<16xf32>
    %gt3A = arith.constant 1.41421354 : f32
    %gt3A_32 = vector.broadcast %gt3A : f32 to vector<16xf32>
    %gt3A_33 = arith.cmpf ogt, %bitcast3A_31, %gt3A_32 : vector<16xf32>
    %mul3A_34 = arith.constant 5.000000e-01 : f32
    %mul3A_35 = vector.broadcast %mul3A_34 : f32 to vector<16xf32>
    %mul3A_36 = arith.mulf %bitcast3A_31, %mul3A_35 : vector<16xf32>
    %select_n3A = arith.select %gt3A_33, %mul3A_36, %bitcast3A_31 : vector<16xi1>, vector<16xf32>
    %add3A = arith.constant 1 : i32
    %add3A_37 = vector.broadcast %add3A : i32 to vector<16xi32>
    %add3A_38 = arith.addi %sub3A_25, %add3A_37 : vector<16xi32>
    %select_n3A_39 = arith.select %gt3A_33, %add3A_38, %sub3A_25 : vector<16xi1>, vector<16xi32>
    %sub3A_40 = arith.constant 1.000000e+00 : f32
    %sub3A_41 = vector.broadcast %sub3A_40 : f32 to vector<16xf32>
    %sub3A_42 = arith.subf %select_n3A, %sub3A_41 : vector<16xf32>
    %add3A_43 = arith.constant 1.000000e+00 : f32
    %add3A_44 = vector.broadcast %add3A_43 : f32 to vector<16xf32>
    %add3A_45 = arith.addf %select_n3A, %add3A_44 : vector<16xf32>
    %div3A_46 = arith.divf %sub3A_42, %add3A_45 : vector<16xf32>
    %mul3A_47 = arith.mulf %div3A_46, %div3A_46 : vector<16xf32>
    %mul3A_48 = arith.constant 2.000000e+00 : f32
    %mul3A_49 = vector.broadcast %mul3A_48 : f32 to vector<16xf32>
    %mul3A_50 = arith.mulf %mul3A_49, %div3A_46 : vector<16xf32>
    %mul3A_51 = arith.constant 0.142857149 : f32
    %mul3A_52 = vector.broadcast %mul3A_51 : f32 to vector<16xf32>
    %mul3A_53 = arith.mulf %mul3A_47, %mul3A_52 : vector<16xf32>
    %add3A_54 = arith.constant 2.000000e-01 : f32
    %add3A_55 = vector.broadcast %add3A_54 : f32 to vector<16xf32>
    %add3A_56 = arith.addf %add3A_55, %mul3A_53 : vector<16xf32>
    %mul3A_57 = arith.mulf %mul3A_47, %add3A_56 : vector<16xf32>
    %add3A_58 = arith.constant 0.333333343 : f32
    %add3A_59 = vector.broadcast %add3A_58 : f32 to vector<16xf32>
    %add3A_60 = arith.addf %add3A_59, %mul3A_57 : vector<16xf32>
    %mul3A_61 = arith.mulf %mul3A_47, %add3A_60 : vector<16xf32>
    %add3A_62 = arith.constant 1.000000e+00 : f32
    %add3A_63 = vector.broadcast %add3A_62 : f32 to vector<16xf32>
    %add3A_64 = arith.addf %add3A_63, %mul3A_61 : vector<16xf32>
    %mul3A_65 = arith.mulf %mul3A_50, %add3A_64 : vector<16xf32>
    %convert_element_type3A = arith.sitofp %select_n3A_39 : vector<16xi32> to vector<16xf32>
    %mul3A_66 = arith.constant 0.693147182 : f32
    %mul3A_67 = vector.broadcast %mul3A_66 : f32 to vector<16xf32>
    %mul3A_68 = arith.mulf %convert_element_type3A, %mul3A_67 : vector<16xf32>
    %add3A_69 = arith.addf %mul3A_68, %mul3A_65 : vector<16xf32>
    %mul3A_70 = arith.constant 4.096000e+03 : f32
    %mul3A_71 = vector.broadcast %mul3A_70 : f32 to vector<16xf32>
    %mul3A_72 = arith.mulf %mul3A_71, %add3A_69 : vector<16xf32>
    %broadcast_in_dim3A_73 = arith.constant 0.000000e+00 : f32
    %broadcast_in_dim3A_74 = vector.broadcast %broadcast_in_dim3A_73 : f32 to vector<16xf32>
    %broadcast_in_dim3A_75 = arith.constant 0.000000e+00 : f32
    %broadcast_in_dim3A_76 = vector.broadcast %broadcast_in_dim3A_75 : f32 to vector<16xf32>
    %broadcast_in_dim3A_77 = arith.constant 0.000000e+00 : f32
    %broadcast_in_dim3A_78 = vector.broadcast %broadcast_in_dim3A_77 : f32 to vector<16xf32>
    %broadcast_in_dim3A_79 = arith.constant 0.000000e+00 : f32
    %broadcast_in_dim3A_80 = vector.broadcast %broadcast_in_dim3A_79 : f32 to vector<16xf32>
    %scan3A = arith.constant 0 : i32
    %scan3A_81 = arith.constant 64 : i32
    %scan3A_82 = arith.addi %scan3A, %scan3A_81 : i32
    %scan3A_83 = arith.constant 1 : i32
    %scan3A_84:4 = scf.for %scan3A_99 = %scan3A to %scan3A_82 step %scan3A_83 iter_args(%scan3A_100 = %broadcast_in_dim3A_74, %scan3A_101 = %broadcast_in_dim3A_76, %scan3A_102 = %broadcast_in_dim3A_78, %scan3A_103 = %broadcast_in_dim3A_80) -> (vector<16xf32>, vector<16xf32>, vector<16xf32>, vector<16xf32>)  : i32 {
      %mul3A_104 = arith.constant 64 : i32
      %mul3A_105 = arith.muli %scan3A_99, %mul3A_104 : i32
      %add3A_106 = arith.constant 0 : i32
      %add3A_107 = arith.addi %mul3A_105, %add3A_106 : i32
      %get3A_108 = arith.index_cast %add3A_107 : i32 to index
      %get3A_109 = tpu.vector_load %arg6[%get3A_108] {strides = array<i32>} : memref<4096xf32, #tpu.memory_space<vmem>>, vector<16xf32>,
      %mul3A_110 = arith.mulf %get3A_109, %div3A_14 : vector<16xf32>
      %sub3A_111 = arith.subf %mul3A_110, %mul3A : vector<16xf32>
      %mul3A_112 = arith.mulf %sub3A_111, %sub3A_111 : vector<16xf32>
      %add3A_113 = arith.addf %scan3A_100, %mul3A_112 : vector<16xf32>
      %add3A_114 = arith.constant 16 : i32
      %add3A_115 = arith.addi %mul3A_105, %add3A_114 : i32
      %get3A_116 = arith.index_cast %add3A_115 : i32 to index
      %get3A_117 = tpu.vector_load %arg6[%get3A_116] {strides = array<i32>} : memref<4096xf32, #tpu.memory_space<vmem>>, vector<16xf32>,
      %mul3A_118 = arith.mulf %get3A_117, %div3A_14 : vector<16xf32>
      %sub3A_119 = arith.subf %mul3A_118, %mul3A : vector<16xf32>
      %mul3A_120 = arith.mulf %sub3A_119, %sub3A_119 : vector<16xf32>
      %add3A_121 = arith.addf %scan3A_101, %mul3A_120 : vector<16xf32>
      %add3A_122 = arith.constant 32 : i32
      %add3A_123 = arith.addi %mul3A_105, %add3A_122 : i32
      %get3A_124 = arith.index_cast %add3A_123 : i32 to index
      %get3A_125 = tpu.vector_load %arg6[%get3A_124] {strides = array<i32>} : memref<4096xf32, #tpu.memory_space<vmem>>, vector<16xf32>,
      %mul3A_126 = arith.mulf %get3A_125, %div3A_14 : vector<16xf32>
      %sub3A_127 = arith.subf %mul3A_126, %mul3A : vector<16xf32>
      %mul3A_128 = arith.mulf %sub3A_127, %sub3A_127 : vector<16xf32>
      %add3A_129 = arith.addf %scan3A_102, %mul3A_128 : vector<16xf32>
      %add3A_130 = arith.constant 48 : i32
      %add3A_131 = arith.addi %mul3A_105, %add3A_130 : i32
      %get3A_132 = arith.index_cast %add3A_131 : i32 to index
      %get3A_133 = tpu.vector_load %arg6[%get3A_132] {strides = array<i32>} : memref<4096xf32, #tpu.memory_space<vmem>>, vector<16xf32>,
      %mul3A_134 = arith.mulf %get3A_133, %div3A_14 : vector<16xf32>
      %sub3A_135 = arith.subf %mul3A_134, %mul3A : vector<16xf32>
      %mul3A_136 = arith.mulf %sub3A_135, %sub3A_135 : vector<16xf32>
      %add3A_137 = arith.addf %scan3A_103, %mul3A_136 : vector<16xf32>
      scf.yield %add3A_113, %add3A_121, %add3A_129, %add3A_137 : vector<16xf32>, vector<16xf32>, vector<16xf32>, vector<16xf32>
    }
    %scan3A_85 = arith.constant 64 : i32
    %add3A_86 = arith.addf %scan3A_84#0, %scan3A_84#1 : vector<16xf32>
    %add3A_87 = arith.addf %scan3A_84#2, %scan3A_84#3 : vector<16xf32>
    %add3A_88 = arith.addf %add3A_86, %add3A_87 : vector<16xf32>
    %reduce_sum3A = arith.constant true
    %reduce_sum3A_89 = vector.broadcast %reduce_sum3A : i1 to vector<16xi1>
    %reduce_sum3A_90 = tpu.scan <sum>, %add3A_88 masked %reduce_sum3A_89 : vector<16xf32>, vector<16xi1> -> vector<16xf32>
    %reduce_sum3A_91 = vector.extract %reduce_sum3A_90[15] : f32 from vector<16xf32>
    %broadcast_in_dim3A_92 = vector.broadcast %reduce_sum3A_91 : f32 to vector<16xf32>
    %mul3A_93 = arith.constant 5.000000e-01 : f32
    %mul3A_94 = vector.broadcast %mul3A_93 : f32 to vector<16xf32>
    %mul3A_95 = arith.mulf %mul3A_94, %broadcast_in_dim3A_92 : vector<16xf32>
    %sub3A_96 = arith.subf %mul3A_72, %mul3A_95 : vector<16xf32>
    %exp3A = math.exp %sub3A_96 : vector<16xf32>
    %mul3A_97 = arith.mulf %sub3A_12, %exp3A : vector<16xf32>
    %swap3A = arith.constant 0 : index
    %swap3A_98 = tpu.vector_load %arg7[%swap3A] {strides = array<i32>} : memref<16xf32, #tpu.memory_space<vmem>>, vector<16xf32>,
    tpu.vector_store %arg7[%swap3A], %mul3A_97 {strides = array<i32>} : memref<16xf32, #tpu.memory_space<vmem>>, vector<16xf32>,
    "tpu.region"() ({
      %run_scoped3A = tpu.sem_alloc : memref<!tpu.dma_semaphore, #tpu.memory_space<semaphore_mem>>
      %dma_start3A = arith.constant 0 : i32
      %dma_start3A_99 = tpu.memref_slice %arg4[%arg1, %dma_start3A] : memref<16x16xf32, #tpu.memory_space<hbm>> -> memref<1x16xf32, #tpu.memory_space<hbm>>
      %dma_start3A_100 = tpu.memref_squeeze %dma_start3A_99 : memref<1x16xf32, #tpu.memory_space<hbm>> -> memref<16xf32, #tpu.memory_space<hbm>>
      %dma_start3A_101 = arith.constant 0 : i32
      %dma_start3A_102 = tpu.memref_slice %arg4[%arg1, %dma_start3A_101] : memref<16x16xf32, #tpu.memory_space<hbm>> -> memref<1x16xf32, #tpu.memory_space<hbm>>
      %dma_start3A_103 = tpu.memref_squeeze %dma_start3A_102 : memref<1x16xf32, #tpu.memory_space<hbm>> -> memref<16xf32, #tpu.memory_space<hbm>>
      tpu.enqueue_dma source(%arg7 : memref<16xf32, #tpu.memory_space<vmem>>) target(%dma_start3A_103 : memref<16xf32, #tpu.memory_space<hbm>>) target_semaphore(%run_scoped3A : memref<!tpu.dma_semaphore, #tpu.memory_space<semaphore_mem>>)
      %dma_wait3A = arith.constant 0 : i32
      %dma_wait3A_104 = tpu.memref_slice %arg4[%arg1, %dma_wait3A] : memref<16x16xf32, #tpu.memory_space<hbm>> -> memref<1x16xf32, #tpu.memory_space<hbm>>
      %dma_wait3A_105 = tpu.memref_squeeze %dma_wait3A_104 : memref<1x16xf32, #tpu.memory_space<hbm>> -> memref<16xf32, #tpu.memory_space<hbm>>
      %dma_wait3A_106 = arith.constant 0 : i32
      %dma_wait3A_107 = tpu.memref_slice %arg4[%arg1, %dma_wait3A_106] : memref<16x16xf32, #tpu.memory_space<hbm>> -> memref<1x16xf32, #tpu.memory_space<hbm>>
      %dma_wait3A_108 = tpu.memref_squeeze %dma_wait3A_107 : memref<1x16xf32, #tpu.memory_space<hbm>> -> memref<16xf32, #tpu.memory_space<hbm>>
      tpu.wait_dma2 semaphore(%run_scoped3A : memref<!tpu.dma_semaphore, #tpu.memory_space<semaphore_mem>>) src(%arg7 : memref<16xf32, #tpu.memory_space<vmem>>) dst(%dma_wait3A_108 : memref<16xf32, #tpu.memory_space<hbm>>)
      tpu.yield
    }) : () -> ()
    return
  }
}

</mosaic_0001>

<sc_bundles>
// kernel: kernel.3.cloned.1.call-start
scs
__scs_entry_jumppad:
0x0: {  	(pc) =	sbr.rel $0x88, $3  }
0x1: {  	(tag) =	ssettag $0x0;
	lr =	simm.s32 $0x1  }
0x2: {  	[smem:$0x3F9F] =	sst lr;
	_ =	strace $0xD0000000  }
0x3: {  	_ = 	snop  }
0x4: {  	_ = 	snop  }
0x5: {  	_ = 	snop  }
0x6: {  	_ = 	snop  }
0x7: {  	_ = 	snop  }
__scs_overlays_trampoline_lowered:
0x8: {  	[smem:$0x3FAE] =	sst s0  }
0x9: {  	[smem:$0x3FAF] =	sst s1  }
0xa: {  	[smem:$0x3FB0] =	sst s2  }
0xb: {  	[smem:$0x3FB1] =	sst s3  }
0xc: {  	[smem:$0x3FB2] =	sst s4  }
0xd: {  	[smem:$0x3FB3] =	sst s5  }
0xe: {  	[smem:$0x3FB4] =	sst s6  }
0xf: {  	[smem:$0x3FB5] =	sst s7  }
0x10: {  	[smem:$0x3FB6] =	sst s8  }
0x11: {  	[smem:$0x3FB7] =	sst s9;
	s0 =	simm.s32 @!p0 $0x0  }
0x12: {  	s1 =	sld [smem:$0x3F9D];
	s0 =	simm.s32 @p0 $0x1  }
0x13: {  	[smem:$0x3FB8] =	sst s0;
	s0 =	simm.s32 @!p1 $0x0  }
0x14: {  	s2 =	sld [smem:$0x3F9C];
	s0 =	simm.s32 @p1 $0x1  }
0x15: {  	[smem:$0x3FB9] =	sst s0;
	s0 =	simm.s32 @!p2 $0x0  }
0x16: {  	s3 =	sld [smem:$0x3FDB];
	s0 =	simm.s32 @p2 $0x1  }
0x17: {  	s4 =	simm.s32 $0x1BF5;
	[smem:$0x3FBB] =	sst s0  }
0x18: {  	s0 =	sld [smem:$0x3F9E];
	_ =	swait.ge [sflag:s4], $0x0  }
0x19: {  	s7 =	sld [smem:$0x3F9F]  }
0x1a: {  	s8 =	sadd.s32 $0xFFFFE003, lr  }
0x1b: {  	s9 =	sadd.s32 $0xFFFFFEF7, lr;
	s5 =	simm.s32 $0xFFFFFFFF;
	p2 =	slt.u32 s8, $0xFFFFF086  }
0x1c: {  	p1 =	slt.u32 s9, $0xF7A;
	s5 =	simm.s32 @!p2 $0x0  }
0x1d: {  	s5 =	simm.s32 @p1 $0x1;
	p0 =	seq.s32 s7, s2  }
0x1e: {  	s7 =	smul.u32 @!p0 $0xF7A, s2;
	p2 =	seq.s32 @!p0 s5, $0x0  }
0x1f: {  	s9 =	smul.u32 $0xF7A, s1;
	s8 =	simm.s32 @!p0 $0x1BF5;
	p2 =	por !p2, p0  }
0x20: {  	[sflag:s8] =	ssyncset.s32 @!p0 $0xFFFFF086;
	s6 =	sadd.s32 @!p0 s3, s7;
	s7 =	simm.s32 @!p0 $0x108  }
0x21: {  	s3 =	sadd.s32 s3, s9;
	s6 =	sadd.s32 @!p0 $0x88, s6;
	s7 =	simm.s32 @p2 $0x1082  }
0x22: {  	[simem:s7], [sflag:s8] =	dma.local @!p0 [hbm:s6], $0xF7A  }
0x23: {  	s9 =	sor.u32 $0xD0000000, s2;
	s6 =	simm.s32 $0x108;
	_ =	swait.ge @!p0 [sflag:s8], $0x0  }
0x24: {  	s3 =	sadd.s32 $0x88, s3;
	s6 =	simm.s32 @!p1 $0x1082;
	[sflag:s4] =	ssyncset.s32 $0xFFFFF086  }
0x25: {  	[simem:s6], [sflag:s4] =	dma.local [hbm:s3], $0xF7A  }
0x26: {  	[smem:$0x3F9F] =	sst s1;
	(tag) =	ssettag s2;
	_ =	strace s9  }
0x27: {  	s1 =	sld [smem:$0x3FAF]  }
0x28: {  	s2 =	sld [smem:$0x3FB0]  }
0x29: {  	s4 =	sld [smem:$0x3FB2]  }
0x2a: {  	p0 =	seq.s32 s5, $0x0;
	s5 =	sld [smem:$0x3FB3]  }
0x2b: {  	s6 =	sld [smem:$0x3FB4]  }
0x2c: {  	s7 =	sld [smem:$0x3FB5]  }
0x2d: {  	s3 =	simm.s32 $0x108;
	s8 =	sld [smem:$0x3FB6]  }
0x2e: {  	s3 =	simm.s32 @!p0 $0x1082;
	s9 =	sld [smem:$0x3FB7]  }
0x2f: {  	lr =	sadd.s32 s0, s3;
	s0 =	sld [smem:$0x3FAE]  }
0x30: {  	s3 =	sld [smem:$0x3FB1]  }
0x31: {  	[smem:$0x3FBA] =	sst s10  }
0x32: {  	s10 =	sld [smem:$0x3FB8];
	_ =	sdelay $0x3  }
0x33: {  	p0 =	seq.s32 s10, $0x1;
	s10 =	sld [smem:$0x3FBA];
	_ =	sdelay $0x3  }
0x34: {  	[smem:$0x3FBA] =	sst s10  }
0x35: {  	s10 =	sld [smem:$0x3FB9];
	_ =	sdelay $0x3  }
0x36: {  	p1 =	seq.s32 s10, $0x1;
	s10 =	sld [smem:$0x3FBA];
	_ =	sdelay $0x3  }
0x37: {  	[smem:$0x3FBA] =	sst s10  }
0x38: {  	s10 =	sld [smem:$0x3FBB]  }
0x39: {  	_ = 	snop;
	(pc) =	sbr.ind lr, $3  }
0x3a: {  	_ = 	snop  }
0x3b: {  	_ = 	snop  }
0x3c: {  	p2 =	seq.s32 s10, $0x1;
	s10 =	sld [smem:$0x3FBA]  }
0x3d: {  	_ =	shalt  }
0x3e: {  	_ =	shalt  }
0x3f: {  	_ =	shalt  }
0x40: {  	_ =	shalt  }
0x41: {  	_ =	shalt  }
0x42: {  	_ =	shalt  }
0x43: {  	_ =	shalt  }
0x44: {  	_ =	shalt  }
0x45: {  	_ =	shalt  }
0x46: {  	_ =	shalt  }
0x47: {  	_ =	shalt  }
0x48: {  	_ =	shalt  }
0x49: {  	_ =	shalt  }
0x4a: {  	_ =	shalt  }
0x4b: {  	_ =	shalt  }
0x4c: {  	_ =	shalt  }
0x4d: {  	_ =	shalt  }
0x4e: {  	_ =	shalt  }
0x4f: {  	_ =	shalt  }
0x50: {  	_ =	shalt  }
0x51: {  	_ =	shalt  }
0x52: {  	_ =	shalt  }
0x53: {  	_ =	shalt  }
0x54: {  	_ =	shalt  }
0x55: {  	_ =	shalt  }
0x56: {  	_ =	shalt  }
0x57: {  	_ =	shalt  }
0x58: {  	_ =	shalt  }
0x59: {  	_ =	shalt  }
0x5a: {  	_ =	shalt  }
0x5b: {  	_ =	shalt  }
0x5c: {  	_ =	shalt  }
0x5d: {  	_ =	shalt  }
0x5e: {  	_ =	shalt  }
0x5f: {  	_ =	shalt  }
0x60: {  	_ =	shalt  }
0x61: {  	_ =	shalt  }
0x62: {  	_ =	shalt  }
0x63: {  	_ =	shalt  }
0x64: {  	_ =	shalt  }
0x65: {  	_ =	shalt  }
0x66: {  	_ =	shalt  }
0x67: {  	_ =	shalt  }
0x68: {  	_ =	shalt  }
0x69: {  	_ =	shalt  }
0x6a: {  	_ =	shalt  }
0x6b: {  	_ =	shalt  }
0x6c: {  	_ =	shalt  }
0x6d: {  	_ =	shalt  }
0x6e: {  	_ =	shalt  }
0x6f: {  	_ =	shalt  }
0x70: {  	_ =	shalt  }
0x71: {  	_ =	shalt  }
0x72: {  	_ =	shalt  }
0x73: {  	_ =	shalt  }
0x74: {  	_ =	shalt  }
0x75: {  	_ =	shalt  }
0x76: {  	_ =	shalt  }
0x77: {  	_ =	shalt  }
0x78: {  	_ =	shalt  }
0x79: {  	_ =	shalt  }
0x7a: {  	_ =	shalt  }
0x7b: {  	_ =	shalt  }
0x7c: {  	_ =	shalt  }
0x7d: {  	_ =	shalt  }
0x7e: {  	_ =	shalt  }
0x7f: {  	_ =	shalt  }
0x80: {  	_ =	shalt  }
0x81: {  	_ =	shalt  }
0x82: {  	_ =	shalt  }
0x83: {  	_ =	shalt  }
0x84: {  	_ =	shalt  }
0x85: {  	_ =	shalt  }
0x86: {  	_ =	shalt  }
0x87: {  	_ =	shalt  }
.Lfunc_end0:
.L_simem_size_0:
called_computation_lowered:
.L_overlay_start_0:
0x88: {  	s0 =	sld [smem:$0x3FD9]  }
0x89: {  	s1 =	sld [smem:$0x3FFE];
	_ =	sdelay $0x3  }
0x8a: {  	s0 =	sadd.s32 s1, s0  }
0x8b: {  	[smem:$0x3FC6] =	sst s0  }
0x8c: {  	_ = 	snop  }
0x8d: {  	s0 =	sld [smem:$0x3FC9]  }
0x8e: {  	s16 =	sld [smem:$0x3FC8];
	(tm) =	ssettm $0x1  }
0x8f: {  	s2 =	sld [smem:$0x3FFB];
	_ =	sdelay $0x3  }
0x90: {  	_ =	strace s2  }
0x91: {  	s2 =	sld [smem:$0x3FFC];
	_ =	sdelay $0x3  }
0x92: {  	_ =	strace s2  }
0x93: {  	s2 =	sld [smem:$0x3FFD];
	_ =	sdelay $0x3  }
0x94: {  	_ =	strace s2  }
0x95: {  	_ =	strace $0x8FFFFFFF  }
0x96: {  	s17 =	sld [smem:$0x3FDB];
	_ =	sdelay $0x1  }
0x97: {  	s3 =	simm.s32 $_scs_section_size  }
0x98: {  	s4 =	simm.s32 $_size__tile_overlayer_lowered;
	s5 =	simm.s32 $_tile_overlayer_lowered  }
0x99: {  	s20 =	simm.s32 $0x1BFF;
	s19 =	sshll.u32 s5, $0x1;
	s2 =	sadd.s32 s3, s17  }
0x9a: {  	s6 =	simm.s32 $0x0;
	s18 =	sshll.u32 s4, $0x1;
	s4 =	sadd.s32 s19, s2  }
0x9b: {  	[timem:s6], [sflag:s20] =	dma.local [hbm:s4], s18  }
0x9c: {  	_ =	swait.ge [sflag:s20], s18  }
0x9d: {  	s3 =	ssub.s32 $0x0, s18;
	[sflag:s20] =	ssyncset.done $0x0  }
0x9e: {  	[sflag:s20] =	ssyncadd.s32 s3;
	_ =	sdelay $0x1  }
0x9f: {  	s21 =	simm.s32 $0x1B8B  }
0xa0: {  	_ =	swait.ge [sflag:s21], $0x1  }
0xa1: {  	[sflag:s21] =	ssyncset.done $0x0  }
0xa2: {  	s23 =	simm.s32 $0x1B8E;
	s22 =	sld [smem:$0x3FFE];
	[sflag:s21] =	ssyncadd.s32 $0xFFFFFFFF  }
0xa3: {  	s24 =	simm.s32 $execute0_lowered;
	[smem:$0x3FD2] =	sst s23  }
0xa4: {  	s4 =	sshll.u32 s24, $0x1;
	_ =	strace $0x80000046;
	[dreg:$0x1] =	wrdreg $0xFFFFFFFF  }
0xa5: {  	s25 =	simm.s32 $_size_execute0_lowered;
	s2 =	sadd.s32 s2, s4;
	[dreg:$0x0] =	wrdreg $0x0  }
0xa6: {  	s4 =	sshll.u32 s25, $0x1;
	[dreg:$0x2] =	wrdreg s2  }
0xa7: {  	[dreg:$0x3] =	wrdreg s4  }
0xa8: {  	[dreg:$0x4] =	wrdreg $0xC0  }
0xa9: {  	_ =	task [dreg:s6], $0x5FFFF  }
0xaa: {  	[dreg:$0x1] =	wrdreg $0xFFFFFFFF  }
0xab: {  	[dreg:$0x0] =	wrdreg $0x60  }
0xac: {  	[dreg:$0x2] =	wrdreg s0  }
0xad: {  	[dreg:$0x3] =	wrdreg s16  }
0xae: {  	[dreg:$0x4] =	wrdreg s22  }
0xaf: {  	[dreg:$0x5] =	wrdreg $0x9  }
0xb0: {  	_ =	task.clear_ibuf [dreg:s6], $0x6FFFF;
	_ =	strace $0x90000046  }
0xb1: {  	s26 =	simm.s32 $0x9;
	_ =	strace $0x80000048  }
0xb2: {  	_ =	swait.ge [sflag:s26], $0x1  }
0xb3: {  	[sflag:s26] =	ssyncadd.s32 $0xFFFFFFFF  }
0xb4: {  	_ =	strace $0x90000048  }
0xb5: {  	_ =	sfence  }
0xb6: {  	s28 =	sld [smem:$0x0];
	_ =	sdelay $0x1  }
0xb7: {  	s29 =	srdreg.scid  }
0xb8: {  	s30 =	sshll.u32 s29, $0xD;
	s31 =	sshrl.u32 s29, $0x2  }
0xb9: {  	s1 =	sand.u32 $0x1, s29;
	s2 =	sand.u32 $0x4000, s30;
	s0 =	sadd.s32 s31, s28  }
0xba: {  	s1 =	sor.u32 s2, s1;
	s0 =	sshll.u32 s0, $0x11  }
0xbb: {  	s0 =	sor.u32 s0, s1  }
0xbc: {  	s0 =	sadd.s32 $0x8F2B, s0  }
0xbd: {  	[sflag:s0] =	ssyncadd.remote.s32 $0x1  }
0xbe: {  	_ =	sfence.sel $0xFFFF  }
0xbf: {  	[dreg:$0x0] =	wrdreg $0xFFFFFFFF;
	(pc) =	sbr.abs _section_cstart, $3  }
0xc0: {  	[dreg:$0x1] =	wrdreg $0xFFFFFFFF  }
0xc1: {  	_ =	task.clear_ibuf [dreg:s6], $0x2FFFF;
	_ =	strace $0x9FFFFFFF  }
0xc2: {  	(tm) =	ssettm $0x7FFFFFFF  }
0xc3: {  	_ =	shalt  }
tec
execute0_lowered:
.L_overlay_start_1:
0x0: {  	(tag) =	ssettag $0x1  }
0x1: {  	s5 =	rddreg [dreg:$0x0]  }
0x2: {  	s6 =	rddreg [dreg:$0x1]  }
0x3: {  	s2 =	rddreg [dreg:$0x2]  }
0x4: {  	s0 =	rddreg [dreg:$0x3]  }
0x5: {  	s7 =	simm.s32 $0x0;
	s1 =	stileid.u32;
	s26 =	simm.s32 $0x1  }
0x6: {  	[smem:$0x7FF] =	sst s7;
	s3 =	sshrl.u32 s1, $0x3;
	s4 =	sshll.u32 s1, $0x7  }
0x7: {  	_ =	strace $0x80000047;
	s4 =	sand.u32 $0x380, s4;
	s8 =	sshll.u32 s3, $0xF  }
0x8: {  	[tilespmem:s7], [sflag:$0x1] =	stream.linear.gather [hbm4b:s6+s7], $0x3, $0x38;
	[tilespmem:$0x1100] =	vst v63  }
0x9: {  	s25 =	sor.u32 s4, s8;
	_ =	swait.ge [sflag:s26], $0x3  }
0xa: {  	s28 =	simm.s32 $0x400;
	s6 =	sshrl.u32 s25, $0x3;
	[sflag:s26] =	ssyncset.done $0x0  }
0xb: {  	s29 =	simm.s32 $0x80;
	s5 =	sadd.s32 s5, s6;
	[sflag:s26] =	ssyncadd.s32 $0xFFFFFFFD  }
0xc: {  	[tilespmem:s29], [sflag:$0x1] =	stream.strided.gather [hbm4b:s5+s29], $0x1000, s28, s29, $0x38;
	[tilespmem:$0x1100] =	vst v63  }
0xd: {  	_ =	swait.ge [sflag:s26], $0x1000  }
0xe: {  	[sflag:s26] =	ssyncset.done $0x0  }
0xf: {  	[sflag:s26] =	ssyncadd.s32 $0xFFFFF000  }
0x10: {  	v2 =	vld [tilespmem:$0x0];
	_ =	sdelay $0x4  }
0x11: {  	v0 =	vbroadcast v2, $0x1;
	_ =	sdelay $0x1  }
0x12: {  	(erf) = vrcp.f32 v0;
	_ =	sdelay $0x3  }
0x13: {  	s30 =	simm.s32 $0x0  }
0x14: {  	v3 =	vld [tilespmem:s30+$0xB0]  }
0x15: {  	v4 =	vld [tilespmem:s30+$0x80]  }
0x16: {  	v5 =	vld [tilespmem:s30+$0x90]  }
0x17: {  	v6 =	vld [tilespmem:s30+$0xA0];
	v0 =	vbroadcast v2, $0x2  }
0x18: {  	v1 =	vpop (erf)  }
0x19: {  	v0 =	vmul.f32 v1, v0  }
0x1a: {  	s31 =	simm.s32 $0x40;
	v3 =	vmul.f32 v3, v1;
	v7 =	vmul.f32 v4, v1  }
0x1b: {  	v8 =	vmul.f32 v5, v1;
	v4 =	vld [tilespmem:s31+$0xB0]  }
0x1c: {  	v10 =	vmul.f32 v6, v1;
	v6 =	vld [tilespmem:s31+$0x80];
	v3 =	vsub.f32 v3, v0;
	v9 =	vsub.f32 v7, v0  }
0x1d: {  	v5 =	vimm.f32 $0.0e+00;
	v12 =	vsub.f32 v8, v0;
	v7 =	vld [tilespmem:s31+$0x90]  }
0x1e: {  	v11 =	vsub.f32 v10, v0;
	v14 =	vmul.f32 v3, v3;
	v13 =	vmul.f32 v9, v9;
	v9 =	vld [tilespmem:s31+$0xA0]  }
0x1f: {  	s5 =	simm.s32 $0x200;
	v10 =	vimm.f32 $0.0e+00;
	v8 =	vimm.f32 $0.0e+00;
	v3 =	vimm.f32 $0.0e+00  }
.LBB2_1:
0x20: {  	s6 =	sshra.s32 s5, $0x2;
	p0 =	sne.s32 s5, $0x3F00;
	s5 =	sadd.s32 $0x100, s5;
	v15 =	vmul.f32 v4, v1;
	v12 =	vmul.f32 v12, v12;
	v5 =	vadd.f32 v14, v5  }
.Ltmp0:
0x21: {  	v4 =	vld [tilespmem:s6+$0xB0];
	v14 =	vmul.f32 v6, v1;
	v10 =	vadd.f32 v13, v10;
	v11 =	vmul.f32 v11, v11;
	(pc) =	sbr.rel @p0 .LBB2_1-.Ltmp0, $4  }
0x22: {  	v6 =	vld [tilespmem:s6+$0x80];
	v13 =	vmul.f32 v7, v1;
	v15 =	vsub.f32 v15, v0;
	v8 =	vadd.f32 v12, v8  }
0x23: {  	v7 =	vld [tilespmem:s6+$0x90];
	v16 =	vsub.f32 v14, v0;
	v17 =	vmul.f32 v9, v1;
	v3 =	vadd.f32 v11, v3  }
0x24: {  	v9 =	vld [tilespmem:s6+$0xA0];
	v12 =	vsub.f32 v13, v0;
	v14 =	vmul.f32 v15, v15  }
0x25: {  	v13 =	vmul.f32 v16, v16;
	v11 =	vsub.f32 v17, v0  }
0x26: {  	v2 =	vclamp.gez.f32 v2, $1.000000000e+00  }
0x27: {  	v2 =	vbroadcast v2, $0x0;
	_ =	sdelay $0x1  }
0x28: {  	v15 =	vmul.f32 $3.989424410e-01, v2;
	_ =	sdelay $0x1  }
0x29: {  	v15 =	vmul.f32 v15, v1;
	_ =	sdelay $0x1  }
0x2a: {  	v16 =	vand.u32 $0x7FFFFF, v15  }
0x2b: {  	v16 =	vor.u32 $0x3F800000, v16  }
0x2c: {  	v17 =	vmul.f32 $5.000000000e-01, v16  }
0x2d: {  	vm0 =	vgt.f32 v16, $1.414213540e+00  }
0x2e: {  	v16 =	vsel vm0, v17, v16  }
0x2f: {  	v17 =	vadd.f32 $1.000000000e+00, v16;
	_ =	sdelay $0x1  }
0x30: {  	(erf) = vrcp.f32 v17;
	_ =	sdelay $0x2  }
0x31: {  	v5 =	vadd.f32 v14, v5;
	v4 =	vmul.f32 v4, v1  }
0x32: {  	v12 =	vmul.f32 v12, v12;
	v10 =	vadd.f32 v13, v10;
	v6 =	vmul.f32 v6, v1  }
0x33: {  	v7 =	vmul.f32 v7, v1;
	v4 =	vsub.f32 v4, v0;
	v45 =	vmul.f32 v9, v1  }
0x34: {  	v8 =	vadd.f32 v12, v8;
	v6 =	vsub.f32 v6, v0  }
0x35: {  	v46 =	vmul.f32 v11, v11;
	v7 =	vsub.f32 v7, v0;
	v47 =	vsub.f32 v45, v0  }
0x36: {  	v48 =	vmul.f32 v4, v4;
	v49 =	vmul.f32 v6, v6;
	v50 =	vadd.f32 $-1.000000000e+00, v16  }
0x37: {  	v3 =	vadd.f32 v46, v3;
	v7 =	vmul.f32 v7, v7;
	v0 =	vmul.f32 v47, v47;
	v51 =	vpop (erf)  }
0x38: {  	v1 =	vadd.f32 v48, v5;
	v4 =	vadd.f32 v49, v10;
	v52 =	vmul.f32 v51, v50  }
0x39: {  	v53 =	vadd.f32 v7, v8;
	v0 =	vadd.f32 v0, v3  }
0x3a: {  	v54 =	vmul.f32 v52, v52  }
0x3b: {  	v4 =	vadd.f32 v53, v4;
	v0 =	vadd.f32 v1, v0  }
0x3c: {  	v55 =	vmul.f32 $1.428571490e-01, v54  }
0x3d: {  	v0 =	vadd.f32 v0, v4  }
0x3e: {  	v1 =	vadd.f32 $2.000000030e-01, v55  }
0x3f: {  	(xrf2) =	vadd.scan.msk.f32 $0xffff, v0  }
0x40: {  	v56 =	vmul.f32 v1, v54;
	_ =	sdelay $0x1  }
0x41: {  	v0 =	vadd.f32 $3.333333430e-01, v56  }
0x42: {  	v58 =	vimm.s32 $0xFFFFFF81;
	v57 =	vshrl.u32 v15, $0x17  }
0x43: {  	v4 =	vsel vm0, $0xFFFFFF82, v58;
	v1 =	vand.u32 $0xFF, v57;
	v0 =	vmul.f32 v0, v54  }
0x44: {  	v1 =	vadd.s32 v1, v4  }
0x45: {  	v59 =	vadd.f32 v52, v52;
	v1 =	vcvt.s32.f32 v1;
	v0 =	vadd.f32 $1.000000000e+00, v0;
	_ =	sdelay $0x1  }
0x46: {  	v1 =	vmul.f32 $6.931471820e-01, v1;
	v0 =	vmul.f32 v0, v59  }
0x47: {  	v60, _, _ =	vpop (xrf2)  }
0x48: {  	v61 =	vmul.f32 $5.000000000e-01, v60;
	v0 =	vadd.f32 v0, v1;
	_ =	sdelay $0x1  }
0x49: {  	v1 =	vbroadcast v61, $0xF;
	v0 =	vmul.f32 $4.096000000e+03, v0;
	_ =	sdelay $0x1  }
0x4a: {  	v0 =	vsub.f32 v0, v1;
	_ =	sdelay $0x1  }
0x4b: {  	v0 =	vmul.f32 $1.442695020e+00, v0;
	_ =	sdelay $0x1  }
0x4c: {  	(erf) = vpow2.f32 v0;
	_ =	sdelay $0x7  }
0x4d: {  	v62 =	vsub.f32 $1.000000000e+00, v2  }
0x4e: {  	s3 =	sshll.u32 s3, $0xA;
	v63 =	vpop (erf)  }
0x4f: {  	s3 =	sor.u32 s4, s3;
	v0 =	vmul.f32 v63, v62  }
0x50: {  	s29 =	simm.s32 $0x0;
	s3 =	sshrl.u32 s3, $0x3  }
0x51: {  	s30 =	simm.s32 $0x1080;
	s31 =	simm.s32 $0x1;
	s2 =	sadd.s32 s2, s3;
	[tilespmem:$0x1080] =	vst v0  }
0x52: {  	[hbm4b:s2+s29] =	stream.linear.scatter [tilespmem:s30], [sflag:$0x1], $0x80, $0x38;
	[tilespmem:$0x1100] =	vst v63  }
0x53: {  	_ =	swait.ge [sflag:s31], $0x80  }
0x54: {  	[sflag:s31] =	ssyncset.done $0x0  }
0x55: {  	[sflag:s31] =	ssyncadd.s32 $0xFFFFFF80  }
0x56: {  	_ =	sfence.sel $0x180000  }
0x57: {  	[bflag:$0x0] =	sbarrier.arrive $0xFFFF  }
0x58: {  	p0 =	sne.s32 s1, $0x0;
	_ =	strace $0x90000047  }
0x59: {  	s0 =	sadd.s32 @!p0 $0x100000, s0;
	[bflag:$0x2] =	sbarrier.arrive $0xFFFF  }
0x5a: {  	[sflag:s0] =	ssyncadd.tile.s32 @!p0 $0x1;
	_ =	shalt  }
.Lfunc_end2:
_tile_overlayer_lowered:
.L_overlay_start_2:
0x5b: {  	(tag) =	ssettag $0x2  }
0x5c: {  	s0 =	rddreg [dreg:$0x0];
	s2 =	stileid.u32  }
0x5d: {  	s1 =	rddreg [dreg:$0x1];
	p0 =	sne.s32 s2, $0x0  }
0x5e: {  	s3 =	rddreg [dreg:$0x2];
	[bflag:$0x3] =	sbarrier.arrive $0xFFFF;
	s2 =	simm.s32 @!p0 $0x1C01  }
0x5f: {  	[timem:s3], [sflag:s2] =	dma.local @!p0 [hbm:s0], s1  }
0x60: {  	s0 =	simm.s32 @!p0 $0x1  }
0x61: {  	_ =	swait.ge @!p0 [sflag:s0], s1  }
0x62: {  	s1 =	ssub.s32 @!p0 $0x0, s1;
	[sflag:s0] =	ssyncset.done @!p0 $0x0  }
0x63: {  	[sflag:s0] =	ssyncadd.s32 @!p0 s1  }
0x64: {  	[bflag:$0x3] =	sbarrier.arrive $0xFFFF  }
0x65: {  	_ =	shalt  }

</sc_bundles>
